<compile_context>
chip_gen: v7x
topology: tpu7x:2x2x1
jax: 0.10.2.dev20260603
libtpu: 0.0.44.dev20260713+nightly
codegen_flags: <defaults>
</compile_context>

<pallas_src>
import functools

import jax
import jax.numpy as jnp
from jax import lax
from jax.experimental import pallas as pl
from jax.experimental.pallas import tpu as pltpu
from jax.experimental.pallas import tpu_sc as plsc

N = 10000
E = 320000
D = 128

NC = 2
NS = 16
BLK = 128
BLKS_PER_SUB = -(-E // (NS * BLK))
PER_SUB = BLKS_PER_SUB * BLK
E_PAD = PER_SUB * NS
DUMMY = N
TAB_ROWS = 10008
ACC_ROWS = 10112
ACC_PER_SUB = ACC_ROWS // NS


def _tables_body(h_ref, ws_ref, bs_ref, w_ref, g_ref):
    h = h_ref[...]
    p = lax.dot_general(h, ws_ref[...], (((1,), (1,)), ((), ())),
                        preferred_element_type=jnp.float32) + bs_ref[...]
    m = jnp.max(p, axis=0, keepdims=True)
    w = jnp.exp(p - m)
    w_ref[...] = w
    g_ref[...] = w * h


_tables_call = pl.pallas_call(
    _tables_body,
    out_shape=(
        jax.ShapeDtypeStruct((TAB_ROWS, D), jnp.float32),
        jax.ShapeDtypeStruct((TAB_ROWS, D), jnp.float32),
    ),
)


def _edge_body(g_hbm, w_hbm, eb_hbm, zeros_hbm, out_hbm,
               iv, rows_v, acc_sh, sem):
    c = lax.axis_index("c")
    s = lax.axis_index("s")
    pltpu.sync_copy(zeros_hbm, acc_sh.at[pl.ds(s * ACC_PER_SUB, ACC_PER_SUB)])
    plsc.subcore_barrier()

    ibase = s * BLKS_PER_SUB

    def body(i, _):
        pltpu.sync_copy(eb_hbm.at[ibase + i], iv)

        @pl.when(c == 0)
        def _():
            pltpu.async_copy(g_hbm.at[iv.at[0]], rows_v, sem).wait()

        @pl.when(c == 1)
        def _():
            pltpu.async_copy(w_hbm.at[iv.at[0]], rows_v, sem).wait()

        pltpu.sync_copy(rows_v, acc_sh.at[iv.at[1]], add=True)
        return 0

    lax.fori_loop(0, BLKS_PER_SUB, body, 0)
    plsc.subcore_barrier()
    pltpu.sync_copy(acc_sh.at[pl.ds(s * ACC_PER_SUB, ACC_PER_SUB)],
                    out_hbm.at[c, pl.ds(s * ACC_PER_SUB, ACC_PER_SUB)])


_edge_call = functools.partial(
    pl.kernel,
    mesh=plsc.VectorSubcoreMesh(core_axis_name="c", subcore_axis_name="s"),
    out_type=jax.ShapeDtypeStruct((NC, ACC_ROWS, D), jnp.float32),
    scratch_types=[
        pltpu.VMEM((2, BLK), jnp.int32),
        pltpu.VMEM((BLK, D), jnp.float32),
        pltpu.VMEM_SHARED((ACC_ROWS, D), jnp.float32),
        pltpu.SemaphoreType.DMA,
    ],
)(_edge_body)


def _finish_body(num_ref, den_ref, h_ref, out_ref):
    den = den_ref[...]
    out_ref[...] = jnp.where(den > 0, num_ref[...] / den, h_ref[...])


_finish_call = pl.pallas_call(
    _finish_body,
    out_shape=jax.ShapeDtypeStruct((N, D), jnp.float32),
)


def kernel(h, edge_index, Wn, bn, Ws, bs):
    del Wn, bn
    src = edge_index[0]
    dst = edge_index[1]
    pad = E_PAD - E
    src_p = jnp.concatenate([src, jnp.full((pad,), DUMMY, jnp.int32)])
    dst_p = jnp.concatenate([dst, jnp.full((pad,), DUMMY, jnp.int32)])
    eb = jnp.stack([src_p.reshape(E_PAD // BLK, BLK),
                    dst_p.reshape(E_PAD // BLK, BLK)], axis=1)
    h_p = jnp.concatenate([h, jnp.zeros((TAB_ROWS - N, D), jnp.float32)])
    w_tab, g_tab = _tables_call(h_p, Ws, bs.reshape(1, D))
    zeros = jnp.zeros((ACC_PER_SUB, D), jnp.float32)
    acc = _edge_call(g_tab, w_tab, eb, zeros)
    return _finish_call(acc[0, :N], acc[1, :N], h)

# --- scband reference (transcript-rebuilt; emitter-appended) ---
"""Pipeline reference for scband-deep-satconv-27144193311200 (READ-ONLY COPY).

The authoritative reference and input builder live on the scoring server;
editing this copy changes nothing except your own understanding.
"""

import jax, jax.numpy as jnp
import numpy as np

N_NODES = 10000
N_EDGES = 320000
EMB = 128


def setup_inputs(seed: int = 0) -> dict:
    key = jax.random.key(seed)
    k1, k2, k3, k4, k5, k6 = jax.random.split(key, 6)
    h = jax.random.normal(k1, (N_NODES, EMB), dtype=jnp.float32)
    edge_index = jax.random.randint(k2, (2, N_EDGES), 0, N_NODES, dtype=jnp.int32)
    # xavier_normal_ with gain for relu (gain = sqrt(2)) on [out, in] weights
    gain = float(np.sqrt(2.0))
    std = gain * float(np.sqrt(2.0 / (EMB + EMB)))
    Wn = jax.random.normal(k3, (EMB, EMB), dtype=jnp.float32) * std
    Ws = jax.random.normal(k4, (EMB, EMB), dtype=jnp.float32) * std
    bound = 1.0 / np.sqrt(EMB)
    bn = jax.random.uniform(k5, (EMB,), dtype=jnp.float32, minval=-bound, maxval=bound)
    bs = jax.random.uniform(k6, (EMB,), dtype=jnp.float32, minval=-bound, maxval=bound)
    return {"h": h, "edge_index": edge_index, "Wn": Wn, "bn": bn, "Ws": Ws, "bs": bs}


def reference(h, edge_index, Wn, bn, Ws, bs):
    # DeepSATConv forward:
    #   neibour_h = Linear_n(h); self_h = Linear_s(h)
    #   per edge (src->dst): msg = self_h[src] + neibour_h[dst]; carried value = h[src]
    #   per dst node: alpha = softmax(msg over incoming edges, per-feature); h' = sum(alpha * h[src])
    #   nodes with no incoming edges keep their original h (DGL update_all semantics)
    src = edge_index[0]
    dst = edge_index[1]
    N = h.shape[0]
    neibour_h = h @ Wn.T + bn
    self_h = h @ Ws.T + bs
    msg = self_h[src] + neibour_h[dst]            # [E, d]
    h_src = h[src]                                 # [E, d]
    # numerically stable segment softmax over incoming edges of each dst node
    seg_max = jax.ops.segment_max(msg, dst, num_segments=N)          # [N, d]
    msg_exp = jnp.exp(msg - seg_max[dst])                            # [E, d]
    denom = jax.ops.segment_sum(msg_exp, dst, num_segments=N)        # [N, d]
    alpha = msg_exp / denom[dst]                                     # [E, d]
    out = jax.ops.segment_sum(alpha * h_src, dst, num_segments=N)    # [N, d]
    in_deg = jax.ops.segment_sum(jnp.ones((msg.shape[0],), dtype=jnp.float32), dst, num_segments=N)
    out = jnp.where(in_deg[:, None] > 0, out, h)
    return out

if __name__ == "__main__":
    import jax
    _d = setup_inputs()
    print(jax.jit(kernel)(*tuple(_d.values())))

</pallas_src>

<mosaic_0001>
#map = affine_map<(d0, d1) -> (0, 0)>
#map1 = affine_map<(d0, d1) -> (0, 0, 0)>
module attributes {stable_mosaic.version = 14 : i64} {
  func.func @_edge_body(%arg0: i32, %arg1: i32, %arg2: memref<10008x128xf32, #tpu.memory_space<hbm>>, %arg3: memref<10008x128xf32, #tpu.memory_space<hbm>>, %arg4: memref<2512x2x128xi32, #tpu.memory_space<hbm>>, %arg5: memref<632x128xf32, #tpu.memory_space<hbm>>, %arg6: memref<2x10112x128xf32, #tpu.memory_space<hbm>>, %arg7: memref<2x128xi32, #tpu.memory_space<vmem>>, %arg8: memref<128x128xf32, #tpu.memory_space<vmem>>, %arg9: memref<10112x128xf32, #tpu.memory_space<vmem_shared>>, %arg10: memref<!tpu.dma_semaphore, #tpu.memory_space<semaphore_mem>>) attributes {dimension_semantics = [#tpu.dimension_semantics<core_parallel>, #tpu.dimension_semantics<subcore_parallel>], iteration_bounds = array<i64: 2, 16>, scalar_prefetch = 0 : i64, scratch_operands = 4 : i64, tpu.core_type = #tpu.core_type<sc_vector_subcore>, window_params = [{transform_indices = #map}, {transform_indices = #map}, {transform_indices = #map1}, {transform_indices = #map}, {transform_indices = #map1}]} {
    %mul3A = arith.constant 632 : i32
    %mul3A_0 = arith.muli %arg1, %mul3A : i32
    "tpu.region"() ({
      %run_scoped3A = tpu.sem_alloc : memref<!tpu.dma_semaphore, #tpu.memory_space<semaphore_mem>>
      %dma_start3A = arith.constant 0 : i32
      %dma_start3A_14 = tpu.memref_slice %arg9[%mul3A_0, %dma_start3A] : memref<10112x128xf32, #tpu.memory_space<vmem_shared>> -> memref<632x128xf32, #tpu.memory_space<vmem_shared>>
      tpu.enqueue_dma source(%arg5 : memref<632x128xf32, #tpu.memory_space<hbm>>) target(%dma_start3A_14 : memref<632x128xf32, #tpu.memory_space<vmem_shared>>) target_semaphore(%run_scoped3A : memref<!tpu.dma_semaphore, #tpu.memory_space<semaphore_mem>>)
      %dma_wait3A = arith.constant 0 : i32
      %dma_wait3A_15 = tpu.memref_slice %arg9[%mul3A_0, %dma_wait3A] : memref<10112x128xf32, #tpu.memory_space<vmem_shared>> -> memref<632x128xf32, #tpu.memory_space<vmem_shared>>
      tpu.wait_dma2 semaphore(%run_scoped3A : memref<!tpu.dma_semaphore, #tpu.memory_space<semaphore_mem>>) src(%arg5 : memref<632x128xf32, #tpu.memory_space<hbm>>) dst(%dma_wait3A_15 : memref<632x128xf32, #tpu.memory_space<vmem_shared>>)
      tpu.yield
    }) : () -> ()
    %barrier3A = arith.constant 0 : index
    tpu.barrier barrier_id(%barrier3A)
    %mul3A_1 = arith.constant 157 : i32
    %mul3A_2 = arith.muli %arg1, %mul3A_1 : i32
    %scan3A = arith.constant 0 : i32
    %scan3A_3 = arith.constant 0 : i32
    %scan3A_4 = arith.constant 157 : i32
    %scan3A_5 = arith.addi %scan3A_3, %scan3A_4 : i32
    %scan3A_6 = arith.constant 1 : i32
    %scan3A_7 = scf.for %scan3A_14 = %scan3A_3 to %scan3A_5 step %scan3A_6 iter_args(%scan3A_15 = %scan3A) -> (i32)  : i32 {
      %add3A = arith.addi %mul3A_2, %scan3A_14 : i32
      "tpu.region"() ({
        %run_scoped3A_24 = tpu.sem_alloc : memref<!tpu.dma_semaphore, #tpu.memory_space<semaphore_mem>>
        %dma_start3A = arith.constant 0 : i32
        %dma_start3A_25 = arith.constant 0 : i32
        %dma_start3A_26 = tpu.memref_slice %arg4[%add3A, %dma_start3A, %dma_start3A_25] : memref<2512x2x128xi32, #tpu.memory_space<hbm>> -> memref<1x2x128xi32, #tpu.memory_space<hbm>>
        %dma_start3A_27 = tpu.memref_squeeze %dma_start3A_26 : memref<1x2x128xi32, #tpu.memory_space<hbm>> -> memref<2x128xi32, #tpu.memory_space<hbm>>
        %dma_start3A_28 = arith.constant 0 : i32
        %dma_start3A_29 = arith.constant 0 : i32
        %dma_start3A_30 = tpu.memref_slice %arg4[%add3A, %dma_start3A_28, %dma_start3A_29] : memref<2512x2x128xi32, #tpu.memory_space<hbm>> -> memref<1x2x128xi32, #tpu.memory_space<hbm>>
        %dma_start3A_31 = tpu.memref_squeeze %dma_start3A_30 : memref<1x2x128xi32, #tpu.memory_space<hbm>> -> memref<2x128xi32, #tpu.memory_space<hbm>>
        tpu.enqueue_dma source(%dma_start3A_31 : memref<2x128xi32, #tpu.memory_space<hbm>>) target(%arg7 : memref<2x128xi32, #tpu.memory_space<vmem>>) target_semaphore(%run_scoped3A_24 : memref<!tpu.dma_semaphore, #tpu.memory_space<semaphore_mem>>)
        %dma_wait3A = arith.constant 0 : i32
        %dma_wait3A_32 = arith.constant 0 : i32
        %dma_wait3A_33 = tpu.memref_slice %arg4[%add3A, %dma_wait3A, %dma_wait3A_32] : memref<2512x2x128xi32, #tpu.memory_space<hbm>> -> memref<1x2x128xi32, #tpu.memory_space<hbm>>
        %dma_wait3A_34 = tpu.memref_squeeze %dma_wait3A_33 : memref<1x2x128xi32, #tpu.memory_space<hbm>> -> memref<2x128xi32, #tpu.memory_space<hbm>>
        %dma_wait3A_35 = arith.constant 0 : i32
        %dma_wait3A_36 = arith.constant 0 : i32
        %dma_wait3A_37 = tpu.memref_slice %arg4[%add3A, %dma_wait3A_35, %dma_wait3A_36] : memref<2512x2x128xi32, #tpu.memory_space<hbm>> -> memref<1x2x128xi32, #tpu.memory_space<hbm>>
        %dma_wait3A_38 = tpu.memref_squeeze %dma_wait3A_37 : memref<1x2x128xi32, #tpu.memory_space<hbm>> -> memref<2x128xi32, #tpu.memory_space<hbm>>
        tpu.wait_dma2 semaphore(%run_scoped3A_24 : memref<!tpu.dma_semaphore, #tpu.memory_space<semaphore_mem>>) src(%dma_wait3A_38 : memref<2x128xi32, #tpu.memory_space<hbm>>) dst(%arg7 : memref<2x128xi32, #tpu.memory_space<vmem>>)
        tpu.yield
      }) : () -> ()
      %eq3A = arith.constant 0 : i32
      %eq3A_16 = arith.cmpi eq, %arg0, %eq3A : i32
      %convert_element_type3A = arith.extui %eq3A_16 : i1 to i32
      %cond3A = arith.constant 0 : i32
      %cond3A_17 = arith.cmpi ne, %convert_element_type3A, %cond3A : i32
      scf.if %cond3A_17 {
        %dma_start3A = arith.constant 0 : i32
        %dma_start3A_24 = arith.constant 0 : i32
        %dma_start3A_25 = tpu.memref_slice %arg7[%dma_start3A, %dma_start3A_24] : memref<2x128xi32, #tpu.memory_space<vmem>> -> memref<1x128xi32, #tpu.memory_space<vmem>>
        %dma_start3A_26 = tpu.memref_squeeze %dma_start3A_25 : memref<1x128xi32, #tpu.memory_space<vmem>> -> memref<128xi32, #tpu.memory_space<vmem>>
        %dma_start3A_27 = arith.constant 0 : i32
        %dma_start3A_28 = arith.constant 0 : i32
        %dma_start3A_29 = tpu.memref_slice %arg2[%dma_start3A_27, %dma_start3A_28] : memref<10008x128xf32, #tpu.memory_space<hbm>> -> memref<10008x128xf32, #tpu.memory_space<hbm>>
        tpu.enqueue_indirect_dma source(%dma_start3A_29 : memref<10008x128xf32, #tpu.memory_space<hbm>>) target(%arg8 : memref<128x128xf32, #tpu.memory_space<vmem>>) offsets(%dma_start3A_26 : memref<128xi32, #tpu.memory_space<vmem>>) semaphore(%arg10 : memref<!tpu.dma_semaphore, #tpu.memory_space<semaphore_mem>>)
        %dma_wait3A = arith.constant 0 : i32
        %dma_wait3A_30 = arith.constant 0 : i32
        %dma_wait3A_31 = tpu.memref_slice %arg7[%dma_wait3A, %dma_wait3A_30] : memref<2x128xi32, #tpu.memory_space<vmem>> -> memref<1x128xi32, #tpu.memory_space<vmem>>
        %dma_wait3A_32 = tpu.memref_squeeze %dma_wait3A_31 : memref<1x128xi32, #tpu.memory_space<vmem>> -> memref<128xi32, #tpu.memory_space<vmem>>
        %dma_wait3A_33 = arith.constant 0 : i32
        %dma_wait3A_34 = arith.constant 0 : i32
        %dma_wait3A_35 = tpu.memref_slice %arg2[%dma_wait3A_33, %dma_wait3A_34] : memref<10008x128xf32, #tpu.memory_space<hbm>> -> memref<10008x128xf32, #tpu.memory_space<hbm>>
        tpu.wait_indirect_dma semaphore(%arg10 : memref<!tpu.dma_semaphore, #tpu.memory_space<semaphore_mem>>) src(%dma_wait3A_35 : memref<10008x128xf32, #tpu.memory_space<hbm>>) dst(%arg8 : memref<128x128xf32, #tpu.memory_space<vmem>>)
      } else {
      }
      %eq3A_18 = arith.constant 1 : i32
      %eq3A_19 = arith.cmpi eq, %arg0, %eq3A_18 : i32
      %convert_element_type3A_20 = arith.extui %eq3A_19 : i1 to i32
      %cond3A_21 = arith.constant 0 : i32
      %cond3A_22 = arith.cmpi ne, %convert_element_type3A_20, %cond3A_21 : i32
      scf.if %cond3A_22 {
        %dma_start3A = arith.constant 0 : i32
        %dma_start3A_24 = arith.constant 0 : i32
        %dma_start3A_25 = tpu.memref_slice %arg7[%dma_start3A, %dma_start3A_24] : memref<2x128xi32, #tpu.memory_space<vmem>> -> memref<1x128xi32, #tpu.memory_space<vmem>>
        %dma_start3A_26 = tpu.memref_squeeze %dma_start3A_25 : memref<1x128xi32, #tpu.memory_space<vmem>> -> memref<128xi32, #tpu.memory_space<vmem>>
        %dma_start3A_27 = arith.constant 0 : i32
        %dma_start3A_28 = arith.constant 0 : i32
        %dma_start3A_29 = tpu.memref_slice %arg3[%dma_start3A_27, %dma_start3A_28] : memref<10008x128xf32, #tpu.memory_space<hbm>> -> memref<10008x128xf32, #tpu.memory_space<hbm>>
        tpu.enqueue_indirect_dma source(%dma_start3A_29 : memref<10008x128xf32, #tpu.memory_space<hbm>>) target(%arg8 : memref<128x128xf32, #tpu.memory_space<vmem>>) offsets(%dma_start3A_26 : memref<128xi32, #tpu.memory_space<vmem>>) semaphore(%arg10 : memref<!tpu.dma_semaphore, #tpu.memory_space<semaphore_mem>>)
        %dma_wait3A = arith.constant 0 : i32
        %dma_wait3A_30 = arith.constant 0 : i32
        %dma_wait3A_31 = tpu.memref_slice %arg7[%dma_wait3A, %dma_wait3A_30] : memref<2x128xi32, #tpu.memory_space<vmem>> -> memref<1x128xi32, #tpu.memory_space<vmem>>
        %dma_wait3A_32 = tpu.memref_squeeze %dma_wait3A_31 : memref<1x128xi32, #tpu.memory_space<vmem>> -> memref<128xi32, #tpu.memory_space<vmem>>
        %dma_wait3A_33 = arith.constant 0 : i32
        %dma_wait3A_34 = arith.constant 0 : i32
        %dma_wait3A_35 = tpu.memref_slice %arg3[%dma_wait3A_33, %dma_wait3A_34] : memref<10008x128xf32, #tpu.memory_space<hbm>> -> memref<10008x128xf32, #tpu.memory_space<hbm>>
        tpu.wait_indirect_dma semaphore(%arg10 : memref<!tpu.dma_semaphore, #tpu.memory_space<semaphore_mem>>) src(%dma_wait3A_35 : memref<10008x128xf32, #tpu.memory_space<hbm>>) dst(%arg8 : memref<128x128xf32, #tpu.memory_space<vmem>>)
      } else {
      }
      %run_scoped3A = arith.constant 1 : i32
      "tpu.region"() ({
        %run_scoped3A_24 = tpu.sem_alloc : memref<!tpu.dma_semaphore, #tpu.memory_space<semaphore_mem>>
        %dma_start3A = arith.constant 0 : i32
        %dma_start3A_25 = tpu.memref_slice %arg7[%run_scoped3A, %dma_start3A] : memref<2x128xi32, #tpu.memory_space<vmem>> -> memref<1x128xi32, #tpu.memory_space<vmem>>
        %dma_start3A_26 = tpu.memref_squeeze %dma_start3A_25 : memref<1x128xi32, #tpu.memory_space<vmem>> -> memref<128xi32, #tpu.memory_space<vmem>>
        %dma_start3A_27 = arith.constant 0 : i32
        %dma_start3A_28 = arith.constant 0 : i32
        %dma_start3A_29 = tpu.memref_slice %arg9[%dma_start3A_27, %dma_start3A_28] : memref<10112x128xf32, #tpu.memory_space<vmem_shared>> -> memref<10112x128xf32, #tpu.memory_space<vmem_shared>>
        tpu.enqueue_indirect_dma source(%arg8 : memref<128x128xf32, #tpu.memory_space<vmem>>) target(%dma_start3A_29 : memref<10112x128xf32, #tpu.memory_space<vmem_shared>>) offsets(%dma_start3A_26 : memref<128xi32, #tpu.memory_space<vmem>>) semaphore(%run_scoped3A_24 : memref<!tpu.dma_semaphore, #tpu.memory_space<semaphore_mem>>) {add = true}
        %dma_wait3A = arith.constant 0 : i32
        %dma_wait3A_30 = tpu.memref_slice %arg7[%run_scoped3A, %dma_wait3A] : memref<2x128xi32, #tpu.memory_space<vmem>> -> memref<1x128xi32, #tpu.memory_space<vmem>>
        %dma_wait3A_31 = tpu.memref_squeeze %dma_wait3A_30 : memref<1x128xi32, #tpu.memory_space<vmem>> -> memref<128xi32, #tpu.memory_space<vmem>>
        %dma_wait3A_32 = arith.constant 0 : i32
        %dma_wait3A_33 = arith.constant 0 : i32
        %dma_wait3A_34 = tpu.memref_slice %arg9[%dma_wait3A_32, %dma_wait3A_33] : memref<10112x128xf32, #tpu.memory_space<vmem_shared>> -> memref<10112x128xf32, #tpu.memory_space<vmem_shared>>
        tpu.wait_indirect_dma semaphore(%run_scoped3A_24 : memref<!tpu.dma_semaphore, #tpu.memory_space<semaphore_mem>>) src(%arg8 : memref<128x128xf32, #tpu.memory_space<vmem>>) dst(%dma_wait3A_34 : memref<10112x128xf32, #tpu.memory_space<vmem_shared>>)
        tpu.yield
      }) : () -> ()
      %scan3A_23 = arith.constant 0 : i32
      scf.yield %scan3A_23 : i32
    }
    %scan3A_8 = arith.constant 157 : i32
    %barrier3A_9 = arith.constant 0 : index
    tpu.barrier barrier_id(%barrier3A_9)
    %mul3A_10 = arith.constant 632 : i32
    %mul3A_11 = arith.muli %arg1, %mul3A_10 : i32
    %mul3A_12 = arith.constant 632 : i32
    %mul3A_13 = arith.muli %arg1, %mul3A_12 : i32
    "tpu.region"() ({
      %run_scoped3A = tpu.sem_alloc : memref<!tpu.dma_semaphore, #tpu.memory_space<semaphore_mem>>
      %dma_start3A = arith.constant 0 : i32
      %dma_start3A_14 = tpu.memref_slice %arg6[%arg0, %mul3A_13, %dma_start3A] : memref<2x10112x128xf32, #tpu.memory_space<hbm>> -> memref<1x632x128xf32, #tpu.memory_space<hbm>>
      %dma_start3A_15 = tpu.memref_squeeze %dma_start3A_14 : memref<1x632x128xf32, #tpu.memory_space<hbm>> -> memref<632x128xf32, #tpu.memory_space<hbm>>
      %dma_start3A_16 = arith.constant 0 : i32
      %dma_start3A_17 = tpu.memref_slice %arg9[%mul3A_11, %dma_start3A_16] : memref<10112x128xf32, #tpu.memory_space<vmem_shared>> -> memref<632x128xf32, #tpu.memory_space<vmem_shared>>
      tpu.enqueue_dma source(%dma_start3A_17 : memref<632x128xf32, #tpu.memory_space<vmem_shared>>) target(%dma_start3A_15 : memref<632x128xf32, #tpu.memory_space<hbm>>) target_semaphore(%run_scoped3A : memref<!tpu.dma_semaphore, #tpu.memory_space<semaphore_mem>>)
      %dma_wait3A = arith.constant 0 : i32
      %dma_wait3A_18 = tpu.memref_slice %arg6[%arg0, %mul3A_13, %dma_wait3A] : memref<2x10112x128xf32, #tpu.memory_space<hbm>> -> memref<1x632x128xf32, #tpu.memory_space<hbm>>
      %dma_wait3A_19 = tpu.memref_squeeze %dma_wait3A_18 : memref<1x632x128xf32, #tpu.memory_space<hbm>> -> memref<632x128xf32, #tpu.memory_space<hbm>>
      %dma_wait3A_20 = arith.constant 0 : i32
      %dma_wait3A_21 = tpu.memref_slice %arg9[%mul3A_11, %dma_wait3A_20] : memref<10112x128xf32, #tpu.memory_space<vmem_shared>> -> memref<632x128xf32, #tpu.memory_space<vmem_shared>>
      tpu.wait_dma2 semaphore(%run_scoped3A : memref<!tpu.dma_semaphore, #tpu.memory_space<semaphore_mem>>) src(%dma_wait3A_21 : memref<632x128xf32, #tpu.memory_space<vmem_shared>>) dst(%dma_wait3A_19 : memref<632x128xf32, #tpu.memory_space<hbm>>)
      tpu.yield
    }) : () -> ()
    return
  }
}

module attributes {stable_mosaic.version = 14 : i64} {
  func.func @_tables_body(%arg0: memref<10008x128xf32, #tpu.memory_space<vmem>>, %arg1: memref<128x128xf32, #tpu.memory_space<vmem>>, %arg2: memref<1x128xf32, #tpu.memory_space<vmem>>, %arg3: memref<10008x128xf32, #tpu.memory_space<vmem>>, %arg4: memref<10008x128xf32, #tpu.memory_space<vmem>>) attributes {dimension_semantics = [], scalar_prefetch = 0 : i64, scratch_operands = 0 : i64, tpu.core_type = #tpu.core_type<tc>} {
    %get3A = arith.constant 0 : index
    %get3A_0 = arith.constant 0 : index
    %get3A_1 = vector.load %arg0[%get3A, %get3A_0] : memref<10008x128xf32, #tpu.memory_space<vmem>>, vector<10008x128xf32>
    %get3A_2 = arith.constant 0 : index
    %get3A_3 = arith.constant 0 : index
    %get3A_4 = vector.load %arg1[%get3A_2, %get3A_3] : memref<128x128xf32, #tpu.memory_space<vmem>>, vector<128x128xf32>
    %dot_general3A = arith.constant dense<0.000000e+00> : vector<10008x128xf32>
    %dot_general3A_5 = tpu.matmul %get3A_1, %get3A_4, %dot_general3A {dimension_numbers = #tpu.dot_dimension_numbers<[1], [1], [0], [0], [0, 0, 1, 0], [], []>, transpose_lhs_hint = false} : vector<10008x128xf32>, vector<128x128xf32>, vector<10008x128xf32> -> vector<10008x128xf32>
    %get3A_6 = arith.constant 0 : index
    %get3A_7 = arith.constant 0 : index
    %get3A_8 = vector.load %arg2[%get3A_6, %get3A_7] : memref<1x128xf32, #tpu.memory_space<vmem>>, vector<1x128xf32>
    %add3A = vector.broadcast %get3A_8 : vector<1x128xf32> to vector<10008x128xf32>
    %add3A_9 = arith.addf %dot_general3A_5, %add3A : vector<10008x128xf32>
    %reduce_max3A = arith.constant dense<0xFF800000> : vector<128xf32>
    %reduce_max3A_10 = vector.multi_reduction <maximumf>, %add3A_9, %reduce_max3A [0] : vector<10008x128xf32> to vector<128xf32>
    %broadcast_in_dim3A = vector.shape_cast %reduce_max3A_10 : vector<128xf32> to vector<1x128xf32>
    %sub3A = vector.broadcast %broadcast_in_dim3A : vector<1x128xf32> to vector<10008x128xf32>
    %sub3A_11 = arith.subf %add3A_9, %sub3A : vector<10008x128xf32>
    %exp3A = math.exp %sub3A_11 : vector<10008x128xf32>
    %swap3A = arith.constant 0 : index
    %swap3A_12 = arith.constant 0 : index
    %swap3A_13 = vector.load %arg3[%swap3A, %swap3A_12] : memref<10008x128xf32, #tpu.memory_space<vmem>>, vector<10008x128xf32>
    tpu.vector_store %arg3[%swap3A, %swap3A_12], %exp3A {strides = array<i32>} : memref<10008x128xf32, #tpu.memory_space<vmem>>, vector<10008x128xf32>,
    %mul3A = arith.mulf %exp3A, %get3A_1 : vector<10008x128xf32>
    %swap3A_14 = arith.constant 0 : index
    %swap3A_15 = arith.constant 0 : index
    %swap3A_16 = vector.load %arg4[%swap3A_14, %swap3A_15] : memref<10008x128xf32, #tpu.memory_space<vmem>>, vector<10008x128xf32>
    tpu.vector_store %arg4[%swap3A_14, %swap3A_15], %mul3A {strides = array<i32>} : memref<10008x128xf32, #tpu.memory_space<vmem>>, vector<10008x128xf32>,
    return
  }
}

module attributes {stable_mosaic.version = 14 : i64} {
  func.func @_finish_body(%arg0: memref<10000x128xf32, #tpu.memory_space<vmem>>, %arg1: memref<10000x128xf32, #tpu.memory_space<vmem>>, %arg2: memref<10000x128xf32, #tpu.memory_space<vmem>>, %arg3: memref<10000x128xf32, #tpu.memory_space<vmem>>) attributes {dimension_semantics = [], scalar_prefetch = 0 : i64, scratch_operands = 0 : i64, tpu.core_type = #tpu.core_type<tc>} {
    %get3A = arith.constant 0 : index
    %get3A_0 = arith.constant 0 : index
    %get3A_1 = vector.load %arg1[%get3A, %get3A_0] : memref<10000x128xf32, #tpu.memory_space<vmem>>, vector<10000x128xf32>
    %gt3A = arith.constant 0.000000e+00 : f32
    %gt3A_2 = vector.broadcast %gt3A : f32 to vector<10000x128xf32>
    %gt3A_3 = arith.cmpf ogt, %get3A_1, %gt3A_2 : vector<10000x128xf32>
    %get3A_4 = arith.constant 0 : index
    %get3A_5 = arith.constant 0 : index
    %get3A_6 = vector.load %arg0[%get3A_4, %get3A_5] : memref<10000x128xf32, #tpu.memory_space<vmem>>, vector<10000x128xf32>
    %div3A = arith.divf %get3A_6, %get3A_1 : vector<10000x128xf32>
    %get3A_7 = arith.constant 0 : index
    %get3A_8 = arith.constant 0 : index
    %get3A_9 = vector.load %arg2[%get3A_7, %get3A_8] : memref<10000x128xf32, #tpu.memory_space<vmem>>, vector<10000x128xf32>
    %select_n3A = arith.select %gt3A_3, %div3A, %get3A_9 : vector<10000x128xi1>, vector<10000x128xf32>
    %swap3A = arith.constant 0 : index
    %swap3A_10 = arith.constant 0 : index
    %swap3A_11 = vector.load %arg3[%swap3A, %swap3A_10] : memref<10000x128xf32, #tpu.memory_space<vmem>>, vector<10000x128xf32>
    tpu.vector_store %arg3[%swap3A, %swap3A_10], %select_n3A {strides = array<i32>} : memref<10000x128xf32, #tpu.memory_space<vmem>>, vector<10000x128xf32>,
    return
  }
}

</mosaic_0001>

<sc_bundles>
// kernel: kernel.5.cloned.1.call-start
scs
__scs_entry_jumppad:
0x0: {  	(pc) =	sbr.rel $0x88, $3  }
0x1: {  	(tag) =	ssettag $0x0;
	lr =	simm.s32 $0x1  }
0x2: {  	[smem:$0x3F9D] =	sst lr;
	_ =	strace $0xD0000000  }
0x3: {  	_ = 	snop  }
0x4: {  	_ = 	snop  }
0x5: {  	_ = 	snop  }
0x6: {  	_ = 	snop  }
0x7: {  	_ = 	snop  }
__scs_overlays_trampoline_lowered:
0x8: {  	[smem:$0x3FAC] =	sst s0  }
0x9: {  	[smem:$0x3FAD] =	sst s1  }
0xa: {  	[smem:$0x3FAE] =	sst s2  }
0xb: {  	[smem:$0x3FAF] =	sst s3  }
0xc: {  	[smem:$0x3FB0] =	sst s4  }
0xd: {  	[smem:$0x3FB1] =	sst s5  }
0xe: {  	[smem:$0x3FB2] =	sst s6  }
0xf: {  	[smem:$0x3FB3] =	sst s7  }
0x10: {  	[smem:$0x3FB4] =	sst s8  }
0x11: {  	[smem:$0x3FB5] =	sst s9;
	s0 =	simm.s32 @!p0 $0x0  }
0x12: {  	s1 =	sld [smem:$0x3F9B];
	s0 =	simm.s32 @p0 $0x1  }
0x13: {  	[smem:$0x3FB6] =	sst s0;
	s0 =	simm.s32 @!p1 $0x0  }
0x14: {  	s2 =	sld [smem:$0x3F9A];
	s0 =	simm.s32 @p1 $0x1  }
0x15: {  	[smem:$0x3FB7] =	sst s0;
	s0 =	simm.s32 @!p2 $0x0  }
0x16: {  	s3 =	sld [smem:$0x3FDB];
	s0 =	simm.s32 @p2 $0x1  }
0x17: {  	s4 =	simm.s32 $0x1BF5;
	[smem:$0x3FB9] =	sst s0  }
0x18: {  	s0 =	sld [smem:$0x3F9C];
	_ =	swait.ge [sflag:s4], $0x0  }
0x19: {  	s7 =	sld [smem:$0x3F9D]  }
0x1a: {  	s8 =	sadd.s32 $0xFFFFE003, lr  }
0x1b: {  	s9 =	sadd.s32 $0xFFFFFEF7, lr;
	s5 =	simm.s32 $0xFFFFFFFF;
	p2 =	slt.u32 s8, $0xFFFFF086  }
0x1c: {  	p1 =	slt.u32 s9, $0xF7A;
	s5 =	simm.s32 @!p2 $0x0  }
0x1d: {  	s5 =	simm.s32 @p1 $0x1;
	p0 =	seq.s32 s7, s2  }
0x1e: {  	s7 =	smul.u32 @!p0 $0xF7A, s2;
	p2 =	seq.s32 @!p0 s5, $0x0  }
0x1f: {  	s9 =	smul.u32 $0xF7A, s1;
	s8 =	simm.s32 @!p0 $0x1BF5;
	p2 =	por !p2, p0  }
0x20: {  	[sflag:s8] =	ssyncset.s32 @!p0 $0xFFFFF086;
	s6 =	sadd.s32 @!p0 s3, s7;
	s7 =	simm.s32 @!p0 $0x108  }
0x21: {  	s3 =	sadd.s32 s3, s9;
	s6 =	sadd.s32 @!p0 $0x88, s6;
	s7 =	simm.s32 @p2 $0x1082  }
0x22: {  	[simem:s7], [sflag:s8] =	dma.local @!p0 [hbm:s6], $0xF7A  }
0x23: {  	s9 =	sor.u32 $0xD0000000, s2;
	s6 =	simm.s32 $0x108;
	_ =	swait.ge @!p0 [sflag:s8], $0x0  }
0x24: {  	s3 =	sadd.s32 $0x88, s3;
	s6 =	simm.s32 @!p1 $0x1082;
	[sflag:s4] =	ssyncset.s32 $0xFFFFF086  }
0x25: {  	[simem:s6], [sflag:s4] =	dma.local [hbm:s3], $0xF7A  }
0x26: {  	[smem:$0x3F9D] =	sst s1;
	(tag) =	ssettag s2;
	_ =	strace s9  }
0x27: {  	s1 =	sld [smem:$0x3FAD]  }
0x28: {  	s2 =	sld [smem:$0x3FAE]  }
0x29: {  	s4 =	sld [smem:$0x3FB0]  }
0x2a: {  	p0 =	seq.s32 s5, $0x0;
	s5 =	sld [smem:$0x3FB1]  }
0x2b: {  	s6 =	sld [smem:$0x3FB2]  }
0x2c: {  	s7 =	sld [smem:$0x3FB3]  }
0x2d: {  	s3 =	simm.s32 $0x108;
	s8 =	sld [smem:$0x3FB4]  }
0x2e: {  	s3 =	simm.s32 @!p0 $0x1082;
	s9 =	sld [smem:$0x3FB5]  }
0x2f: {  	lr =	sadd.s32 s0, s3;
	s0 =	sld [smem:$0x3FAC]  }
0x30: {  	s3 =	sld [smem:$0x3FAF]  }
0x31: {  	[smem:$0x3FB8] =	sst s10  }
0x32: {  	s10 =	sld [smem:$0x3FB6];
	_ =	sdelay $0x3  }
0x33: {  	p0 =	seq.s32 s10, $0x1;
	s10 =	sld [smem:$0x3FB8];
	_ =	sdelay $0x3  }
0x34: {  	[smem:$0x3FB8] =	sst s10  }
0x35: {  	s10 =	sld [smem:$0x3FB7];
	_ =	sdelay $0x3  }
0x36: {  	p1 =	seq.s32 s10, $0x1;
	s10 =	sld [smem:$0x3FB8];
	_ =	sdelay $0x3  }
0x37: {  	[smem:$0x3FB8] =	sst s10  }
0x38: {  	s10 =	sld [smem:$0x3FB9]  }
0x39: {  	_ = 	snop;
	(pc) =	sbr.ind lr, $3  }
0x3a: {  	_ = 	snop  }
0x3b: {  	_ = 	snop  }
0x3c: {  	p2 =	seq.s32 s10, $0x1;
	s10 =	sld [smem:$0x3FB8]  }
0x3d: {  	_ =	shalt  }
0x3e: {  	_ =	shalt  }
0x3f: {  	_ =	shalt  }
0x40: {  	_ =	shalt  }
0x41: {  	_ =	shalt  }
0x42: {  	_ =	shalt  }
0x43: {  	_ =	shalt  }
0x44: {  	_ =	shalt  }
0x45: {  	_ =	shalt  }
0x46: {  	_ =	shalt  }
0x47: {  	_ =	shalt  }
0x48: {  	_ =	shalt  }
0x49: {  	_ =	shalt  }
0x4a: {  	_ =	shalt  }
0x4b: {  	_ =	shalt  }
0x4c: {  	_ =	shalt  }
0x4d: {  	_ =	shalt  }
0x4e: {  	_ =	shalt  }
0x4f: {  	_ =	shalt  }
0x50: {  	_ =	shalt  }
0x51: {  	_ =	shalt  }
0x52: {  	_ =	shalt  }
0x53: {  	_ =	shalt  }
0x54: {  	_ =	shalt  }
0x55: {  	_ =	shalt  }
0x56: {  	_ =	shalt  }
0x57: {  	_ =	shalt  }
0x58: {  	_ =	shalt  }
0x59: {  	_ =	shalt  }
0x5a: {  	_ =	shalt  }
0x5b: {  	_ =	shalt  }
0x5c: {  	_ =	shalt  }
0x5d: {  	_ =	shalt  }
0x5e: {  	_ =	shalt  }
0x5f: {  	_ =	shalt  }
0x60: {  	_ =	shalt  }
0x61: {  	_ =	shalt  }
0x62: {  	_ =	shalt  }
0x63: {  	_ =	shalt  }
0x64: {  	_ =	shalt  }
0x65: {  	_ =	shalt  }
0x66: {  	_ =	shalt  }
0x67: {  	_ =	shalt  }
0x68: {  	_ =	shalt  }
0x69: {  	_ =	shalt  }
0x6a: {  	_ =	shalt  }
0x6b: {  	_ =	shalt  }
0x6c: {  	_ =	shalt  }
0x6d: {  	_ =	shalt  }
0x6e: {  	_ =	shalt  }
0x6f: {  	_ =	shalt  }
0x70: {  	_ =	shalt  }
0x71: {  	_ =	shalt  }
0x72: {  	_ =	shalt  }
0x73: {  	_ =	shalt  }
0x74: {  	_ =	shalt  }
0x75: {  	_ =	shalt  }
0x76: {  	_ =	shalt  }
0x77: {  	_ =	shalt  }
0x78: {  	_ =	shalt  }
0x79: {  	_ =	shalt  }
0x7a: {  	_ =	shalt  }
0x7b: {  	_ =	shalt  }
0x7c: {  	_ =	shalt  }
0x7d: {  	_ =	shalt  }
0x7e: {  	_ =	shalt  }
0x7f: {  	_ =	shalt  }
0x80: {  	_ =	shalt  }
0x81: {  	_ =	shalt  }
0x82: {  	_ =	shalt  }
0x83: {  	_ =	shalt  }
0x84: {  	_ =	shalt  }
0x85: {  	_ =	shalt  }
0x86: {  	_ =	shalt  }
0x87: {  	_ =	shalt  }
.Lfunc_end0:
.L_simem_size_0:
called_computation_lowered:
.L_overlay_start_0:
0x88: {  	s2 =	sld [smem:$0x3FD9]  }
0x89: {  	s3 =	sld [smem:$0x3FFE];
	_ =	sdelay $0x1  }
0x8a: {  	s1 =	srdreg.scid  }
0x8b: {  	s0 =	sand.u32 $0x1, s1  }
0x8c: {  	s17 =	sshll.u32 s0, $0xA;
	s2 =	sadd.s32 s3, s2  }
0x8d: {  	s2 =	sadd.s32 s2, s17  }
0x8e: {  	[smem:$0x3FC4] =	sst s2  }
0x8f: {  	_ = 	snop  }
0x90: {  	s2 =	sld [smem:$0x3FD0];
	(tm) =	ssettm $0x1  }
0x91: {  	s18 =	sld [smem:$0x3FFB];
	_ =	sdelay $0x3  }
0x92: {  	_ =	strace s18  }
0x93: {  	s3 =	sld [smem:$0x3FFC];
	_ =	sdelay $0x3  }
0x94: {  	_ =	strace s3  }
0x95: {  	s3 =	sld [smem:$0x3FFD];
	_ =	sdelay $0x3  }
0x96: {  	_ =	strace s3  }
0x97: {  	_ =	strace $0x8FFFFFFF  }
0x98: {  	s19 =	sld [smem:$0x3FDB];
	_ =	sdelay $0x1  }
0x99: {  	s4 =	simm.s32 $_scs_section_size  }
0x9a: {  	s5 =	simm.s32 $_size__tile_overlayer_lowered;
	s6 =	simm.s32 $_tile_overlayer_lowered  }
0x9b: {  	s22 =	simm.s32 $0x1BFF;
	s21 =	sshll.u32 s6, $0x1;
	s3 =	sadd.s32 s4, s19  }
0x9c: {  	s7 =	simm.s32 $0x0;
	s20 =	sshll.u32 s5, $0x1;
	s5 =	sadd.s32 s21, s3  }
0x9d: {  	[timem:s7], [sflag:s22] =	dma.local [hbm:s5], s20  }
0x9e: {  	_ =	swait.ge [sflag:s22], s20  }
0x9f: {  	s4 =	ssub.s32 $0x0, s20;
	[sflag:s22] =	ssyncset.done $0x0  }
0xa0: {  	[sflag:s22] =	ssyncadd.s32 s4;
	_ =	sdelay $0x1  }
0xa1: {  	s23 =	simm.s32 $0x1B8B  }
0xa2: {  	_ =	swait.ge [sflag:s23], $0x1  }
0xa3: {  	[sflag:s23] =	ssyncset.done $0x0  }
0xa4: {  	s25 =	simm.s32 $0x1B8E;
	s24 =	sld [smem:$0x3FFE];
	[sflag:s23] =	ssyncadd.s32 $0xFFFFFFFF  }
0xa5: {  	s26 =	simm.s32 $execute0_lowered;
	[smem:$0x3FD2] =	sst s25  }
0xa6: {  	s5 =	sshll.u32 s26, $0x1;
	_ =	strace $0x80000046;
	[dreg:$0x1] =	wrdreg $0xFFFFFFFF  }
0xa7: {  	s28 =	simm.s32 $_size_execute0_lowered;
	s3 =	sadd.s32 s3, s5;
	[dreg:$0x0] =	wrdreg $0x0  }
0xa8: {  	s5 =	sshll.u32 s28, $0x1;
	[dreg:$0x2] =	wrdreg s3  }
0xa9: {  	[dreg:$0x3] =	wrdreg s5  }
0xaa: {  	[dreg:$0x4] =	wrdreg $0xC0  }
0xab: {  	_ =	task [dreg:s7], $0x5FFFF  }
0xac: {  	[dreg:$0x1] =	wrdreg $0xFFFFFFFF  }
0xad: {  	[dreg:$0x0] =	wrdreg $0x60  }
0xae: {  	[dreg:$0x2] =	wrdreg s24  }
0xaf: {  	[dreg:$0x3] =	wrdreg s2  }
0xb0: {  	[dreg:$0x4] =	wrdreg $0x41000  }
0xb1: {  	[dreg:$0x5] =	wrdreg $0x9  }
0xb2: {  	_ =	task.clear_ibuf [dreg:s7], $0x6FFFF;
	_ =	strace $0x90000046  }
0xb3: {  	s29 =	simm.s32 $0x9;
	_ =	strace $0x80000048  }
0xb4: {  	_ =	swait.ge [sflag:s29], $0x1  }
0xb5: {  	[sflag:s29] =	ssyncadd.s32 $0xFFFFFFFF  }
0xb6: {  	_ =	strace $0x90000048  }
0xb7: {  	_ =	sfence  }
0xb8: {  	s30 =	sld [smem:$0x0];
	_ =	sdelay $0x2  }
0xb9: {  	s31 =	sshll.u32 s1, $0xD;
	s1 =	sshrl.u32 s1, $0x2  }
0xba: {  	s3 =	sand.u32 $0x4000, s31;
	s1 =	sadd.s32 s1, s30  }
0xbb: {  	s0 =	sor.u32 s3, s0;
	s1 =	sshll.u32 s1, $0x11  }
0xbc: {  	s0 =	sor.u32 s1, s0  }
0xbd: {  	s0 =	sadd.s32 $0x8F2B, s0  }
0xbe: {  	[sflag:s0] =	ssyncadd.remote.s32 $0x1  }
0xbf: {  	_ =	sfence.sel $0xFFFF  }
0xc0: {  	[dreg:$0x0] =	wrdreg $0xFFFFFFFF;
	(pc) =	sbr.abs _section_cstart, $3  }
0xc1: {  	[dreg:$0x1] =	wrdreg $0xFFFFFFFF  }
0xc2: {  	_ =	task.clear_ibuf [dreg:s7], $0x2FFFF;
	_ =	strace $0x9FFFFFFF  }
0xc3: {  	(tm) =	ssettm $0x7FFFFFFF  }
tec
execute0_lowered:
.L_overlay_start_1:
0x0: {  	(tag) =	ssettag $0x1  }
0x1: {  	s8 =	rddreg [dreg:$0x0]  }
0x2: {  	s9 =	rddreg [dreg:$0x1];
	s0 =	srdreg.scid  }
0x3: {  	s2 =	rddreg [dreg:$0x2];
	s1 =	stileid.u32  }
0x4: {  	s3 =	simm.s32 $0x0;
	s12 =	simm.s32 $0x28200;
	s6 =	smul.u32 $0x13C00, s1  }
0x5: {  	s14 =	simm.s32 $0x1;
	s15 =	simm.s32 $0x0;
	s7 =	smul.u32 $0x4F000, s1  }
0x6: {  	s5 =	sand.u32 $0x1, s0;
	s0 =	rddreg [dreg:$0x3];
	s13 =	smul.u32 $0x13A0, s1  }
0x7: {  	[smem:$0x7FF] =	sst s3;
	s31 =	sshll.u32 s1, $0x6;
	s4 =	smul.u32 $0x13C000, s5  }
0x8: {  	_ =	strace $0x80000047;
	s10 =	ssub.s32 $0x2, s5;
	p0 =	seq.s32 s5, $0x1  }
0x9: {  	s5 =	sor.u32 $0x1C02, s31;
	s11 =	sshrl.u32 s10, $0x1;
	s7 =	sshrl.u32 s7, $0x2  }
0xa: {  	s12 =	simm.s32 @!p0 $0x1000;
	s9 =	sadd.s32 s13, s9;
	s13 =	simm.s32 $0x100  }
0xb: {  	s6 =	sadd.s32 s6, s4;
	s4 =	sadd.s32 $0x4F400, s8;
	s10 =	ssub.s32 s10, s11  }
0xc: {  	s30 =	sadd.s32 s7, s2;
	s11 =	simm.s32 $0x2;
	s6 =	sshrl.u32 s6, $0x3  }
0xd: {  	s7 =	smax.u32 s10, $0x1;
	s10 =	sshrl.u32 s30, $0x3;
	s6 =	sadd.s32 s6, s8  }
0xe: {  	s8 =	sadd.s32 s12, s8;
	s12 =	simm.s32 $0x80;
	s6 =	sadd.s32 $0x51C00, s6  }
.LBB2_1:
0xf: {  	[spmem:s10], [sflag:s5] =	dma.local [hbm:s4], $0x2780  }
0x10: {  	_ =	swait.ge [sflag:s11], $0x2780  }
0x11: {  	[sflag:s11] =	ssyncset.done $0x0  }
0x12: {  	[sflag:s11] =	ssyncadd.s32 $0xFFFFD880  }
0x13: {  	s16 =	sadd.s32 $0x0, s9;
	[bflag:$0x0] =	sbarrier.arrive $0xFFFF  }
0x14: {  	[tilespmem:s3], [sflag:$0x2] =	stream.linear.gather [hbm4b:s16+s3], $0x100, $0x38;
	[tilespmem:$0x17D00] =	vst v63  }
0x15: {  	_ =	swait.ge [sflag:s11], $0x100  }
0x16: {  	[sflag:s11] =	ssyncset.done $0x0  }
0x17: {  	[sflag:s11] =	ssyncadd.s32 $0xFFFFFF00  }
0x18: {  	[tilespmem:s13], [sflag:$0x1] =	stream.indirect.gather [hbm4b:s8+s12], $0x80, s3, s12, $0xb8;
	[tilespmem:$0x17D00] =	vst v63  }
0x19: {  	_ =	swait.ge [sflag:s14], $0x4000  }
0x1a: {  	[sflag:s14] =	ssyncset.done $0x0  }
0x1b: {  	[sflag:s14] =	ssyncadd.s32 $0xFFFFC000  }
0x1c: {  	[spmem:s2] =	stream.indirect.scatter.add.f32 [tilespmem:s13], [sflag:$0x2], $0x80, s12, s12, $0xb8;
	[tilespmem:$0x17D00] =	vst v63  }
0x1d: {  	_ =	swait.ge [sflag:s11], $0x4000  }
0x1e: {  	s17 =	simm.s32 $0x40;
	s16 =	simm.s32 $0x20;
	[sflag:s11] =	ssyncset.done $0x0  }
.LBB2_2:
0x1f: {  	s18 =	sadd.s32 s16, s9  }
0x20: {  	[sflag:s11] =	ssyncadd.s32 $0xFFFFC000;
	s16 =	smov.u32 s17;
	s19 =	sadd.s32 $0x20, s17  }
0x21: {  	[tilespmem:s3], [sflag:$0x2] =	stream.linear.gather [hbm4b:s18+s3], $0x100, $0x38;
	[tilespmem:$0x17D00] =	vst v63  }
0x22: {  	p0 =	sne.s32 s17, $0x1380;
	_ =	swait.ge [sflag:s11], $0x100  }
0x23: {  	[sflag:s11] =	ssyncset.done $0x0  }
0x24: {  	[sflag:s11] =	ssyncadd.s32 $0xFFFFFF00  }
0x25: {  	[tilespmem:s13], [sflag:$0x1] =	stream.indirect.gather [hbm4b:s8+s12], $0x80, s3, s12, $0xb8;
	[tilespmem:$0x17D00] =	vst v63  }
0x26: {  	_ =	swait.ge [sflag:s14], $0x4000  }
.Ltmp0:
0x27: {  	[sflag:s14] =	ssyncset.done $0x0;
	(pc) =	sbr.rel @p0 .LBB2_2-.Ltmp0, $4  }
0x28: {  	[sflag:s14] =	ssyncadd.s32 $0xFFFFC000  }
0x29: {  	[spmem:s2] =	stream.indirect.scatter.add.f32 [tilespmem:s13], [sflag:$0x2], $0x80, s12, s12, $0xb8;
	[tilespmem:$0x17D00] =	vst v63  }
0x2a: {  	_ =	swait.ge [sflag:s11], $0x4000  }
0x2b: {  	s17 =	smov.u32 s19;
	[sflag:s11] =	ssyncset.done $0x0  }
0x2c: {  	s16 =	sadd.s32 s16, s9;
	[sflag:s11] =	ssyncadd.s32 $0xFFFFC000  }
0x2d: {  	[tilespmem:s3], [sflag:$0x2] =	stream.linear.gather [hbm4b:s16+s3], $0x100, $0x38;
	[tilespmem:$0x17D00] =	vst v63  }
0x2e: {  	_ =	swait.ge [sflag:s11], $0x100  }
0x2f: {  	[sflag:s11] =	ssyncset.done $0x0  }
0x30: {  	[sflag:s11] =	ssyncadd.s32 $0xFFFFFF00  }
0x31: {  	[tilespmem:s13], [sflag:$0x1] =	stream.indirect.gather [hbm4b:s8+s12], $0x80, s3, s12, $0xb8;
	[tilespmem:$0x17D00] =	vst v63  }
0x32: {  	_ =	swait.ge [sflag:s14], $0x4000  }
0x33: {  	[sflag:s14] =	ssyncset.done $0x0  }
0x34: {  	[sflag:s14] =	ssyncadd.s32 $0xFFFFC000  }
0x35: {  	[spmem:s2] =	stream.indirect.scatter.add.f32 [tilespmem:s13], [sflag:$0x2], $0x80, s12, s12, $0xb8;
	[tilespmem:$0x17D00] =	vst v63  }
0x36: {  	_ =	swait.ge [sflag:s11], $0x4000  }
0x37: {  	s15 =	sadd.s32 $0x1, s15;
	[sflag:s11] =	ssyncset.done $0x0  }
0x38: {  	p0 =	sne.s32 s15, s7;
	[sflag:s11] =	ssyncadd.s32 $0xFFFFC000  }
.Ltmp1:
0x39: {  	[bflag:$0x0] =	sbarrier.arrive $0xFFFF;
	(pc) =	sbr.rel @p0 .LBB2_1-.Ltmp1, $4  }
0x3a: {  	[hbm:s6], [sflag:s5] =	dma.local [spmem:s10], $0x2780  }
0x3b: {  	_ =	swait.ge [sflag:s11], $0x2780  }
0x3c: {  	[sflag:s11] =	ssyncset.done $0x0  }
0x3d: {  	[sflag:s11] =	ssyncadd.s32 $0xFFFFD880  }
0x3e: {  	_ =	sfence.sel $0x180000  }
0x3f: {  	[bflag:$0x0] =	sbarrier.arrive $0xFFFF  }
0x40: {  	p0 =	sne.s32 s1, $0x0;
	_ =	strace $0x90000047  }
0x41: {  	s0 =	sadd.s32 @!p0 $0x100000, s0;
	[bflag:$0x2] =	sbarrier.arrive $0xFFFF  }
0x42: {  	[sflag:s0] =	ssyncadd.tile.s32 @!p0 $0x1;
	_ =	shalt  }
.Lfunc_end2:
_tile_overlayer_lowered:
.L_overlay_start_2:
0x43: {  	(tag) =	ssettag $0x2  }
0x44: {  	s0 =	rddreg [dreg:$0x0];
	s2 =	stileid.u32  }
0x45: {  	s1 =	rddreg [dreg:$0x1];
	p0 =	sne.s32 s2, $0x0  }
0x46: {  	s3 =	rddreg [dreg:$0x2];
	[bflag:$0x3] =	sbarrier.arrive $0xFFFF;
	s2 =	simm.s32 @!p0 $0x1C02  }
0x47: {  	[timem:s3], [sflag:s2] =	dma.local @!p0 [hbm:s0], s1  }
0x48: {  	s0 =	simm.s32 @!p0 $0x2  }
0x49: {  	_ =	swait.ge @!p0 [sflag:s0], s1  }
0x4a: {  	s1 =	ssub.s32 @!p0 $0x0, s1;
	[sflag:s0] =	ssyncset.done @!p0 $0x0  }
0x4b: {  	[sflag:s0] =	ssyncadd.s32 @!p0 s1  }
0x4c: {  	[bflag:$0x3] =	sbarrier.arrive $0xFFFF  }
0x4d: {  	_ =	shalt  }

</sc_bundles>
